<compile_context>
chip_gen: v7x
topology: tpu7x:2x2x1
jax: 0.10.2.dev20260603
libtpu: 0.0.44.dev20260713+nightly
codegen_flags: <defaults>
</compile_context>

<pallas_src>
import jax
import jax.numpy as jnp
from jax import lax
from jax.experimental import pallas as pl
from jax.experimental.pallas import tpu as pltpu
from jax.experimental.pallas import tpu_sc as plsc


_NC = 2
_CHUNK_ROWS = 512


def _scs_copy_body(w_hbm, o_hbm, buf0, buf1, lsem0, lsem1, ssem0, ssem1):
    cid = lax.axis_index("c")
    rows_per_c = w_hbm.shape[0] // _NC
    n = rows_per_c // _CHUNK_ROWS
    base = cid * rows_per_c
    bufs = (buf0, buf1)
    lsems = (lsem0, lsem1)
    ssems = (ssem0, ssem1)
    loads = [
        pltpu.make_async_copy(
            w_hbm.at[pl.ds(base + i * _CHUNK_ROWS, _CHUNK_ROWS), :],
            bufs[i % 2],
            lsems[i % 2],
        )
        for i in range(n)
    ]
    stores = [
        pltpu.make_async_copy(
            bufs[i % 2],
            o_hbm.at[0, pl.ds(base + i * _CHUNK_ROWS, _CHUNK_ROWS), :],
            ssems[i % 2],
        )
        for i in range(n)
    ]
    loads[0].start()
    for i in range(n):
        if i + 1 < n:
            if i >= 1:
                stores[i - 1].wait()
            loads[i + 1].start()
        loads[i].wait()
        stores[i].start()
    stores[n - 1].wait()
    if n >= 2:
        stores[n - 2].wait()


def kernel(x, emb_weight):
    seq_len = x.shape[1]
    dim = emb_weight.shape[1]
    sc_copy = pl.kernel(
        _scs_copy_body,
        out_type=jax.ShapeDtypeStruct((1, seq_len, dim), emb_weight.dtype),
        mesh=plsc.ScalarSubcoreMesh(axis_name="c", num_cores=_NC),
        scratch_types=[
            pltpu.VMEM_SHARED((_CHUNK_ROWS, dim), emb_weight.dtype),
            pltpu.VMEM_SHARED((_CHUNK_ROWS, dim), emb_weight.dtype),
            pltpu.SemaphoreType.DMA,
            pltpu.SemaphoreType.DMA,
            pltpu.SemaphoreType.DMA,
            pltpu.SemaphoreType.DMA,
        ],
    )
    return sc_copy(emb_weight)

# --- scband reference (transcript-rebuilt; emitter-appended) ---
"""Pipeline reference for scband-absolute-positional-embedding-51384988729971 (READ-ONLY COPY).

The authoritative reference and input builder live on the scoring server;
editing this copy changes nothing except your own understanding.
"""

import jax, jax.numpy as jnp
import numpy as np

DIM = 1024
MAX_SEQ_LEN = 8192

def setup_inputs(seed: int = 0) -> dict:
    key = jax.random.key(seed)
    k1, k2 = jax.random.split(key)
    x = jax.random.normal(k1, (4, 8192, DIM), dtype=jnp.float32)
    emb_weight = jax.random.normal(k2, (MAX_SEQ_LEN, DIM), dtype=jnp.float32) * 0.02
    return {"x": x, "emb_weight": emb_weight}

def reference(x, emb_weight):
    n = jnp.arange(x.shape[1])
    out = jnp.take(emb_weight, n, axis=0)
    return out[None, :, :]

if __name__ == "__main__":
    import jax
    _d = setup_inputs()
    print(jax.jit(kernel)(*tuple(_d.values())))

</pallas_src>

<mosaic_0001>
#map = affine_map<(d0) -> (0, 0)>
#map1 = affine_map<(d0) -> (0, 0, 0)>
module attributes {stable_mosaic.version = 14 : i64} {
  func.func @_scs_copy_body(%arg0: i32, %arg1: memref<8192x1024xf32, #tpu.memory_space<hbm>>, %arg2: memref<1x8192x1024xf32, #tpu.memory_space<hbm>>, %arg3: memref<512x1024xf32, #tpu.memory_space<vmem_shared>>, %arg4: memref<512x1024xf32, #tpu.memory_space<vmem_shared>>, %arg5: memref<!tpu.dma_semaphore, #tpu.memory_space<semaphore_mem>>, %arg6: memref<!tpu.dma_semaphore, #tpu.memory_space<semaphore_mem>>, %arg7: memref<!tpu.dma_semaphore, #tpu.memory_space<semaphore_mem>>, %arg8: memref<!tpu.dma_semaphore, #tpu.memory_space<semaphore_mem>>) attributes {dimension_semantics = [#tpu.dimension_semantics<core_parallel>], iteration_bounds = array<i64: 2>, scalar_prefetch = 0 : i64, scratch_operands = 6 : i64, tpu.core_type = #tpu.core_type<sc_scalar_subcore>, window_params = [{transform_indices = #map}, {transform_indices = #map1}]} {
    %mul3A = arith.constant 4096 : i32
    %mul3A_0 = arith.muli %arg0, %mul3A : i32
    %add3A = arith.constant 0 : i32
    %add3A_1 = arith.addi %mul3A_0, %add3A : i32
    %add3A_2 = arith.constant 512 : i32
    %add3A_3 = arith.addi %mul3A_0, %add3A_2 : i32
    %add3A_4 = arith.constant 1024 : i32
    %add3A_5 = arith.addi %mul3A_0, %add3A_4 : i32
    %add3A_6 = arith.constant 1536 : i32
    %add3A_7 = arith.addi %mul3A_0, %add3A_6 : i32
    %add3A_8 = arith.constant 2048 : i32
    %add3A_9 = arith.addi %mul3A_0, %add3A_8 : i32
    %add3A_10 = arith.constant 2560 : i32
    %add3A_11 = arith.addi %mul3A_0, %add3A_10 : i32
    %add3A_12 = arith.constant 3072 : i32
    %add3A_13 = arith.addi %mul3A_0, %add3A_12 : i32
    %add3A_14 = arith.constant 3584 : i32
    %add3A_15 = arith.addi %mul3A_0, %add3A_14 : i32
    %add3A_16 = arith.constant 0 : i32
    %add3A_17 = arith.addi %mul3A_0, %add3A_16 : i32
    %add3A_18 = arith.constant 512 : i32
    %add3A_19 = arith.addi %mul3A_0, %add3A_18 : i32
    %add3A_20 = arith.constant 1024 : i32
    %add3A_21 = arith.addi %mul3A_0, %add3A_20 : i32
    %add3A_22 = arith.constant 1536 : i32
    %add3A_23 = arith.addi %mul3A_0, %add3A_22 : i32
    %add3A_24 = arith.constant 2048 : i32
    %add3A_25 = arith.addi %mul3A_0, %add3A_24 : i32
    %add3A_26 = arith.constant 2560 : i32
    %add3A_27 = arith.addi %mul3A_0, %add3A_26 : i32
    %add3A_28 = arith.constant 3072 : i32
    %add3A_29 = arith.addi %mul3A_0, %add3A_28 : i32
    %add3A_30 = arith.constant 3584 : i32
    %add3A_31 = arith.addi %mul3A_0, %add3A_30 : i32
    %dma_start3A = arith.constant 0 : i32
    %dma_start3A_32 = tpu.memref_slice %arg1[%add3A_1, %dma_start3A] : memref<8192x1024xf32, #tpu.memory_space<hbm>> -> memref<512x1024xf32, #tpu.memory_space<hbm>>
    tpu.enqueue_dma source(%dma_start3A_32 : memref<512x1024xf32, #tpu.memory_space<hbm>>) target(%arg3 : memref<512x1024xf32, #tpu.memory_space<vmem_shared>>) target_semaphore(%arg5 : memref<!tpu.dma_semaphore, #tpu.memory_space<semaphore_mem>>)
    %dma_start3A_33 = arith.constant 0 : i32
    %dma_start3A_34 = tpu.memref_slice %arg1[%add3A_3, %dma_start3A_33] : memref<8192x1024xf32, #tpu.memory_space<hbm>> -> memref<512x1024xf32, #tpu.memory_space<hbm>>
    tpu.enqueue_dma source(%dma_start3A_34 : memref<512x1024xf32, #tpu.memory_space<hbm>>) target(%arg4 : memref<512x1024xf32, #tpu.memory_space<vmem_shared>>) target_semaphore(%arg6 : memref<!tpu.dma_semaphore, #tpu.memory_space<semaphore_mem>>)
    %dma_wait3A = arith.constant 0 : i32
    %dma_wait3A_35 = tpu.memref_slice %arg1[%add3A_1, %dma_wait3A] : memref<8192x1024xf32, #tpu.memory_space<hbm>> -> memref<512x1024xf32, #tpu.memory_space<hbm>>
    tpu.wait_dma2 semaphore(%arg5 : memref<!tpu.dma_semaphore, #tpu.memory_space<semaphore_mem>>) src(%dma_wait3A_35 : memref<512x1024xf32, #tpu.memory_space<hbm>>) dst(%arg3 : memref<512x1024xf32, #tpu.memory_space<vmem_shared>>)
    %dma_start3A_36 = arith.constant 0 : i32
    %dma_start3A_37 = arith.constant 0 : i32
    %dma_start3A_38 = tpu.memref_slice %arg2[%dma_start3A_36, %add3A_17, %dma_start3A_37] : memref<1x8192x1024xf32, #tpu.memory_space<hbm>> -> memref<1x512x1024xf32, #tpu.memory_space<hbm>>
    %dma_start3A_39 = tpu.memref_squeeze %dma_start3A_38 : memref<1x512x1024xf32, #tpu.memory_space<hbm>> -> memref<512x1024xf32, #tpu.memory_space<hbm>>
    tpu.enqueue_dma source(%arg3 : memref<512x1024xf32, #tpu.memory_space<vmem_shared>>) target(%dma_start3A_39 : memref<512x1024xf32, #tpu.memory_space<hbm>>) target_semaphore(%arg7 : memref<!tpu.dma_semaphore, #tpu.memory_space<semaphore_mem>>)
    %dma_wait3A_40 = arith.constant 0 : i32
    %dma_wait3A_41 = arith.constant 0 : i32
    %dma_wait3A_42 = tpu.memref_slice %arg2[%dma_wait3A_40, %add3A_17, %dma_wait3A_41] : memref<1x8192x1024xf32, #tpu.memory_space<hbm>> -> memref<1x512x1024xf32, #tpu.memory_space<hbm>>
    %dma_wait3A_43 = tpu.memref_squeeze %dma_wait3A_42 : memref<1x512x1024xf32, #tpu.memory_space<hbm>> -> memref<512x1024xf32, #tpu.memory_space<hbm>>
    tpu.wait_dma2 semaphore(%arg7 : memref<!tpu.dma_semaphore, #tpu.memory_space<semaphore_mem>>) src(%arg3 : memref<512x1024xf32, #tpu.memory_space<vmem_shared>>) dst(%dma_wait3A_43 : memref<512x1024xf32, #tpu.memory_space<hbm>>)
    %dma_start3A_44 = arith.constant 0 : i32
    %dma_start3A_45 = tpu.memref_slice %arg1[%add3A_5, %dma_start3A_44] : memref<8192x1024xf32, #tpu.memory_space<hbm>> -> memref<512x1024xf32, #tpu.memory_space<hbm>>
    tpu.enqueue_dma source(%dma_start3A_45 : memref<512x1024xf32, #tpu.memory_space<hbm>>) target(%arg3 : memref<512x1024xf32, #tpu.memory_space<vmem_shared>>) target_semaphore(%arg5 : memref<!tpu.dma_semaphore, #tpu.memory_space<semaphore_mem>>)
    %dma_wait3A_46 = arith.constant 0 : i32
    %dma_wait3A_47 = tpu.memref_slice %arg1[%add3A_3, %dma_wait3A_46] : memref<8192x1024xf32, #tpu.memory_space<hbm>> -> memref<512x1024xf32, #tpu.memory_space<hbm>>
    tpu.wait_dma2 semaphore(%arg6 : memref<!tpu.dma_semaphore, #tpu.memory_space<semaphore_mem>>) src(%dma_wait3A_47 : memref<512x1024xf32, #tpu.memory_space<hbm>>) dst(%arg4 : memref<512x1024xf32, #tpu.memory_space<vmem_shared>>)
    %dma_start3A_48 = arith.constant 0 : i32
    %dma_start3A_49 = arith.constant 0 : i32
    %dma_start3A_50 = tpu.memref_slice %arg2[%dma_start3A_48, %add3A_19, %dma_start3A_49] : memref<1x8192x1024xf32, #tpu.memory_space<hbm>> -> memref<1x512x1024xf32, #tpu.memory_space<hbm>>
    %dma_start3A_51 = tpu.memref_squeeze %dma_start3A_50 : memref<1x512x1024xf32, #tpu.memory_space<hbm>> -> memref<512x1024xf32, #tpu.memory_space<hbm>>
    tpu.enqueue_dma source(%arg4 : memref<512x1024xf32, #tpu.memory_space<vmem_shared>>) target(%dma_start3A_51 : memref<512x1024xf32, #tpu.memory_space<hbm>>) target_semaphore(%arg8 : memref<!tpu.dma_semaphore, #tpu.memory_space<semaphore_mem>>)
    %dma_wait3A_52 = arith.constant 0 : i32
    %dma_wait3A_53 = arith.constant 0 : i32
    %dma_wait3A_54 = tpu.memref_slice %arg2[%dma_wait3A_52, %add3A_19, %dma_wait3A_53] : memref<1x8192x1024xf32, #tpu.memory_space<hbm>> -> memref<1x512x1024xf32, #tpu.memory_space<hbm>>
    %dma_wait3A_55 = tpu.memref_squeeze %dma_wait3A_54 : memref<1x512x1024xf32, #tpu.memory_space<hbm>> -> memref<512x1024xf32, #tpu.memory_space<hbm>>
    tpu.wait_dma2 semaphore(%arg8 : memref<!tpu.dma_semaphore, #tpu.memory_space<semaphore_mem>>) src(%arg4 : memref<512x1024xf32, #tpu.memory_space<vmem_shared>>) dst(%dma_wait3A_55 : memref<512x1024xf32, #tpu.memory_space<hbm>>)
    %dma_start3A_56 = arith.constant 0 : i32
    %dma_start3A_57 = tpu.memref_slice %arg1[%add3A_7, %dma_start3A_56] : memref<8192x1024xf32, #tpu.memory_space<hbm>> -> memref<512x1024xf32, #tpu.memory_space<hbm>>
    tpu.enqueue_dma source(%dma_start3A_57 : memref<512x1024xf32, #tpu.memory_space<hbm>>) target(%arg4 : memref<512x1024xf32, #tpu.memory_space<vmem_shared>>) target_semaphore(%arg6 : memref<!tpu.dma_semaphore, #tpu.memory_space<semaphore_mem>>)
    %dma_wait3A_58 = arith.constant 0 : i32
    %dma_wait3A_59 = tpu.memref_slice %arg1[%add3A_5, %dma_wait3A_58] : memref<8192x1024xf32, #tpu.memory_space<hbm>> -> memref<512x1024xf32, #tpu.memory_space<hbm>>
    tpu.wait_dma2 semaphore(%arg5 : memref<!tpu.dma_semaphore, #tpu.memory_space<semaphore_mem>>) src(%dma_wait3A_59 : memref<512x1024xf32, #tpu.memory_space<hbm>>) dst(%arg3 : memref<512x1024xf32, #tpu.memory_space<vmem_shared>>)
    %dma_start3A_60 = arith.constant 0 : i32
    %dma_start3A_61 = arith.constant 0 : i32
    %dma_start3A_62 = tpu.memref_slice %arg2[%dma_start3A_60, %add3A_21, %dma_start3A_61] : memref<1x8192x1024xf32, #tpu.memory_space<hbm>> -> memref<1x512x1024xf32, #tpu.memory_space<hbm>>
    %dma_start3A_63 = tpu.memref_squeeze %dma_start3A_62 : memref<1x512x1024xf32, #tpu.memory_space<hbm>> -> memref<512x1024xf32, #tpu.memory_space<hbm>>
    tpu.enqueue_dma source(%arg3 : memref<512x1024xf32, #tpu.memory_space<vmem_shared>>) target(%dma_start3A_63 : memref<512x1024xf32, #tpu.memory_space<hbm>>) target_semaphore(%arg7 : memref<!tpu.dma_semaphore, #tpu.memory_space<semaphore_mem>>)
    %dma_wait3A_64 = arith.constant 0 : i32
    %dma_wait3A_65 = arith.constant 0 : i32
    %dma_wait3A_66 = tpu.memref_slice %arg2[%dma_wait3A_64, %add3A_21, %dma_wait3A_65] : memref<1x8192x1024xf32, #tpu.memory_space<hbm>> -> memref<1x512x1024xf32, #tpu.memory_space<hbm>>
    %dma_wait3A_67 = tpu.memref_squeeze %dma_wait3A_66 : memref<1x512x1024xf32, #tpu.memory_space<hbm>> -> memref<512x1024xf32, #tpu.memory_space<hbm>>
    tpu.wait_dma2 semaphore(%arg7 : memref<!tpu.dma_semaphore, #tpu.memory_space<semaphore_mem>>) src(%arg3 : memref<512x1024xf32, #tpu.memory_space<vmem_shared>>) dst(%dma_wait3A_67 : memref<512x1024xf32, #tpu.memory_space<hbm>>)
    %dma_start3A_68 = arith.constant 0 : i32
    %dma_start3A_69 = tpu.memref_slice %arg1[%add3A_9, %dma_start3A_68] : memref<8192x1024xf32, #tpu.memory_space<hbm>> -> memref<512x1024xf32, #tpu.memory_space<hbm>>
    tpu.enqueue_dma source(%dma_start3A_69 : memref<512x1024xf32, #tpu.memory_space<hbm>>) target(%arg3 : memref<512x1024xf32, #tpu.memory_space<vmem_shared>>) target_semaphore(%arg5 : memref<!tpu.dma_semaphore, #tpu.memory_space<semaphore_mem>>)
    %dma_wait3A_70 = arith.constant 0 : i32
    %dma_wait3A_71 = tpu.memref_slice %arg1[%add3A_7, %dma_wait3A_70] : memref<8192x1024xf32, #tpu.memory_space<hbm>> -> memref<512x1024xf32, #tpu.memory_space<hbm>>
    tpu.wait_dma2 semaphore(%arg6 : memref<!tpu.dma_semaphore, #tpu.memory_space<semaphore_mem>>) src(%dma_wait3A_71 : memref<512x1024xf32, #tpu.memory_space<hbm>>) dst(%arg4 : memref<512x1024xf32, #tpu.memory_space<vmem_shared>>)
    %dma_start3A_72 = arith.constant 0 : i32
    %dma_start3A_73 = arith.constant 0 : i32
    %dma_start3A_74 = tpu.memref_slice %arg2[%dma_start3A_72, %add3A_23, %dma_start3A_73] : memref<1x8192x1024xf32, #tpu.memory_space<hbm>> -> memref<1x512x1024xf32, #tpu.memory_space<hbm>>
    %dma_start3A_75 = tpu.memref_squeeze %dma_start3A_74 : memref<1x512x1024xf32, #tpu.memory_space<hbm>> -> memref<512x1024xf32, #tpu.memory_space<hbm>>
    tpu.enqueue_dma source(%arg4 : memref<512x1024xf32, #tpu.memory_space<vmem_shared>>) target(%dma_start3A_75 : memref<512x1024xf32, #tpu.memory_space<hbm>>) target_semaphore(%arg8 : memref<!tpu.dma_semaphore, #tpu.memory_space<semaphore_mem>>)
    %dma_wait3A_76 = arith.constant 0 : i32
    %dma_wait3A_77 = arith.constant 0 : i32
    %dma_wait3A_78 = tpu.memref_slice %arg2[%dma_wait3A_76, %add3A_23, %dma_wait3A_77] : memref<1x8192x1024xf32, #tpu.memory_space<hbm>> -> memref<1x512x1024xf32, #tpu.memory_space<hbm>>
    %dma_wait3A_79 = tpu.memref_squeeze %dma_wait3A_78 : memref<1x512x1024xf32, #tpu.memory_space<hbm>> -> memref<512x1024xf32, #tpu.memory_space<hbm>>
    tpu.wait_dma2 semaphore(%arg8 : memref<!tpu.dma_semaphore, #tpu.memory_space<semaphore_mem>>) src(%arg4 : memref<512x1024xf32, #tpu.memory_space<vmem_shared>>) dst(%dma_wait3A_79 : memref<512x1024xf32, #tpu.memory_space<hbm>>)
    %dma_start3A_80 = arith.constant 0 : i32
    %dma_start3A_81 = tpu.memref_slice %arg1[%add3A_11, %dma_start3A_80] : memref<8192x1024xf32, #tpu.memory_space<hbm>> -> memref<512x1024xf32, #tpu.memory_space<hbm>>
    tpu.enqueue_dma source(%dma_start3A_81 : memref<512x1024xf32, #tpu.memory_space<hbm>>) target(%arg4 : memref<512x1024xf32, #tpu.memory_space<vmem_shared>>) target_semaphore(%arg6 : memref<!tpu.dma_semaphore, #tpu.memory_space<semaphore_mem>>)
    %dma_wait3A_82 = arith.constant 0 : i32
    %dma_wait3A_83 = tpu.memref_slice %arg1[%add3A_9, %dma_wait3A_82] : memref<8192x1024xf32, #tpu.memory_space<hbm>> -> memref<512x1024xf32, #tpu.memory_space<hbm>>
    tpu.wait_dma2 semaphore(%arg5 : memref<!tpu.dma_semaphore, #tpu.memory_space<semaphore_mem>>) src(%dma_wait3A_83 : memref<512x1024xf32, #tpu.memory_space<hbm>>) dst(%arg3 : memref<512x1024xf32, #tpu.memory_space<vmem_shared>>)
    %dma_start3A_84 = arith.constant 0 : i32
    %dma_start3A_85 = arith.constant 0 : i32
    %dma_start3A_86 = tpu.memref_slice %arg2[%dma_start3A_84, %add3A_25, %dma_start3A_85] : memref<1x8192x1024xf32, #tpu.memory_space<hbm>> -> memref<1x512x1024xf32, #tpu.memory_space<hbm>>
    %dma_start3A_87 = tpu.memref_squeeze %dma_start3A_86 : memref<1x512x1024xf32, #tpu.memory_space<hbm>> -> memref<512x1024xf32, #tpu.memory_space<hbm>>
    tpu.enqueue_dma source(%arg3 : memref<512x1024xf32, #tpu.memory_space<vmem_shared>>) target(%dma_start3A_87 : memref<512x1024xf32, #tpu.memory_space<hbm>>) target_semaphore(%arg7 : memref<!tpu.dma_semaphore, #tpu.memory_space<semaphore_mem>>)
    %dma_wait3A_88 = arith.constant 0 : i32
    %dma_wait3A_89 = arith.constant 0 : i32
    %dma_wait3A_90 = tpu.memref_slice %arg2[%dma_wait3A_88, %add3A_25, %dma_wait3A_89] : memref<1x8192x1024xf32, #tpu.memory_space<hbm>> -> memref<1x512x1024xf32, #tpu.memory_space<hbm>>
    %dma_wait3A_91 = tpu.memref_squeeze %dma_wait3A_90 : memref<1x512x1024xf32, #tpu.memory_space<hbm>> -> memref<512x1024xf32, #tpu.memory_space<hbm>>
    tpu.wait_dma2 semaphore(%arg7 : memref<!tpu.dma_semaphore, #tpu.memory_space<semaphore_mem>>) src(%arg3 : memref<512x1024xf32, #tpu.memory_space<vmem_shared>>) dst(%dma_wait3A_91 : memref<512x1024xf32, #tpu.memory_space<hbm>>)
    %dma_start3A_92 = arith.constant 0 : i32
    %dma_start3A_93 = tpu.memref_slice %arg1[%add3A_13, %dma_start3A_92] : memref<8192x1024xf32, #tpu.memory_space<hbm>> -> memref<512x1024xf32, #tpu.memory_space<hbm>>
    tpu.enqueue_dma source(%dma_start3A_93 : memref<512x1024xf32, #tpu.memory_space<hbm>>) target(%arg3 : memref<512x1024xf32, #tpu.memory_space<vmem_shared>>) target_semaphore(%arg5 : memref<!tpu.dma_semaphore, #tpu.memory_space<semaphore_mem>>)
    %dma_wait3A_94 = arith.constant 0 : i32
    %dma_wait3A_95 = tpu.memref_slice %arg1[%add3A_11, %dma_wait3A_94] : memref<8192x1024xf32, #tpu.memory_space<hbm>> -> memref<512x1024xf32, #tpu.memory_space<hbm>>
    tpu.wait_dma2 semaphore(%arg6 : memref<!tpu.dma_semaphore, #tpu.memory_space<semaphore_mem>>) src(%dma_wait3A_95 : memref<512x1024xf32, #tpu.memory_space<hbm>>) dst(%arg4 : memref<512x1024xf32, #tpu.memory_space<vmem_shared>>)
    %dma_start3A_96 = arith.constant 0 : i32
    %dma_start3A_97 = arith.constant 0 : i32
    %dma_start3A_98 = tpu.memref_slice %arg2[%dma_start3A_96, %add3A_27, %dma_start3A_97] : memref<1x8192x1024xf32, #tpu.memory_space<hbm>> -> memref<1x512x1024xf32, #tpu.memory_space<hbm>>
    %dma_start3A_99 = tpu.memref_squeeze %dma_start3A_98 : memref<1x512x1024xf32, #tpu.memory_space<hbm>> -> memref<512x1024xf32, #tpu.memory_space<hbm>>
    tpu.enqueue_dma source(%arg4 : memref<512x1024xf32, #tpu.memory_space<vmem_shared>>) target(%dma_start3A_99 : memref<512x1024xf32, #tpu.memory_space<hbm>>) target_semaphore(%arg8 : memref<!tpu.dma_semaphore, #tpu.memory_space<semaphore_mem>>)
    %dma_wait3A_100 = arith.constant 0 : i32
    %dma_wait3A_101 = arith.constant 0 : i32
    %dma_wait3A_102 = tpu.memref_slice %arg2[%dma_wait3A_100, %add3A_27, %dma_wait3A_101] : memref<1x8192x1024xf32, #tpu.memory_space<hbm>> -> memref<1x512x1024xf32, #tpu.memory_space<hbm>>
    %dma_wait3A_103 = tpu.memref_squeeze %dma_wait3A_102 : memref<1x512x1024xf32, #tpu.memory_space<hbm>> -> memref<512x1024xf32, #tpu.memory_space<hbm>>
    tpu.wait_dma2 semaphore(%arg8 : memref<!tpu.dma_semaphore, #tpu.memory_space<semaphore_mem>>) src(%arg4 : memref<512x1024xf32, #tpu.memory_space<vmem_shared>>) dst(%dma_wait3A_103 : memref<512x1024xf32, #tpu.memory_space<hbm>>)
    %dma_start3A_104 = arith.constant 0 : i32
    %dma_start3A_105 = tpu.memref_slice %arg1[%add3A_15, %dma_start3A_104] : memref<8192x1024xf32, #tpu.memory_space<hbm>> -> memref<512x1024xf32, #tpu.memory_space<hbm>>
    tpu.enqueue_dma source(%dma_start3A_105 : memref<512x1024xf32, #tpu.memory_space<hbm>>) target(%arg4 : memref<512x1024xf32, #tpu.memory_space<vmem_shared>>) target_semaphore(%arg6 : memref<!tpu.dma_semaphore, #tpu.memory_space<semaphore_mem>>)
    %dma_wait3A_106 = arith.constant 0 : i32
    %dma_wait3A_107 = tpu.memref_slice %arg1[%add3A_13, %dma_wait3A_106] : memref<8192x1024xf32, #tpu.memory_space<hbm>> -> memref<512x1024xf32, #tpu.memory_space<hbm>>
    tpu.wait_dma2 semaphore(%arg5 : memref<!tpu.dma_semaphore, #tpu.memory_space<semaphore_mem>>) src(%dma_wait3A_107 : memref<512x1024xf32, #tpu.memory_space<hbm>>) dst(%arg3 : memref<512x1024xf32, #tpu.memory_space<vmem_shared>>)
    %dma_start3A_108 = arith.constant 0 : i32
    %dma_start3A_109 = arith.constant 0 : i32
    %dma_start3A_110 = tpu.memref_slice %arg2[%dma_start3A_108, %add3A_29, %dma_start3A_109] : memref<1x8192x1024xf32, #tpu.memory_space<hbm>> -> memref<1x512x1024xf32, #tpu.memory_space<hbm>>
    %dma_start3A_111 = tpu.memref_squeeze %dma_start3A_110 : memref<1x512x1024xf32, #tpu.memory_space<hbm>> -> memref<512x1024xf32, #tpu.memory_space<hbm>>
    tpu.enqueue_dma source(%arg3 : memref<512x1024xf32, #tpu.memory_space<vmem_shared>>) target(%dma_start3A_111 : memref<512x1024xf32, #tpu.memory_space<hbm>>) target_semaphore(%arg7 : memref<!tpu.dma_semaphore, #tpu.memory_space<semaphore_mem>>)
    %dma_wait3A_112 = arith.constant 0 : i32
    %dma_wait3A_113 = tpu.memref_slice %arg1[%add3A_15, %dma_wait3A_112] : memref<8192x1024xf32, #tpu.memory_space<hbm>> -> memref<512x1024xf32, #tpu.memory_space<hbm>>
    tpu.wait_dma2 semaphore(%arg6 : memref<!tpu.dma_semaphore, #tpu.memory_space<semaphore_mem>>) src(%dma_wait3A_113 : memref<512x1024xf32, #tpu.memory_space<hbm>>) dst(%arg4 : memref<512x1024xf32, #tpu.memory_space<vmem_shared>>)
    %dma_start3A_114 = arith.constant 0 : i32
    %dma_start3A_115 = arith.constant 0 : i32
    %dma_start3A_116 = tpu.memref_slice %arg2[%dma_start3A_114, %add3A_31, %dma_start3A_115] : memref<1x8192x1024xf32, #tpu.memory_space<hbm>> -> memref<1x512x1024xf32, #tpu.memory_space<hbm>>
    %dma_start3A_117 = tpu.memref_squeeze %dma_start3A_116 : memref<1x512x1024xf32, #tpu.memory_space<hbm>> -> memref<512x1024xf32, #tpu.memory_space<hbm>>
    tpu.enqueue_dma source(%arg4 : memref<512x1024xf32, #tpu.memory_space<vmem_shared>>) target(%dma_start3A_117 : memref<512x1024xf32, #tpu.memory_space<hbm>>) target_semaphore(%arg8 : memref<!tpu.dma_semaphore, #tpu.memory_space<semaphore_mem>>)
    %dma_wait3A_118 = arith.constant 0 : i32
    %dma_wait3A_119 = arith.constant 0 : i32
    %dma_wait3A_120 = tpu.memref_slice %arg2[%dma_wait3A_118, %add3A_31, %dma_wait3A_119] : memref<1x8192x1024xf32, #tpu.memory_space<hbm>> -> memref<1x512x1024xf32, #tpu.memory_space<hbm>>
    %dma_wait3A_121 = tpu.memref_squeeze %dma_wait3A_120 : memref<1x512x1024xf32, #tpu.memory_space<hbm>> -> memref<512x1024xf32, #tpu.memory_space<hbm>>
    tpu.wait_dma2 semaphore(%arg8 : memref<!tpu.dma_semaphore, #tpu.memory_space<semaphore_mem>>) src(%arg4 : memref<512x1024xf32, #tpu.memory_space<vmem_shared>>) dst(%dma_wait3A_121 : memref<512x1024xf32, #tpu.memory_space<hbm>>)
    %dma_wait3A_122 = arith.constant 0 : i32
    %dma_wait3A_123 = arith.constant 0 : i32
    %dma_wait3A_124 = tpu.memref_slice %arg2[%dma_wait3A_122, %add3A_29, %dma_wait3A_123] : memref<1x8192x1024xf32, #tpu.memory_space<hbm>> -> memref<1x512x1024xf32, #tpu.memory_space<hbm>>
    %dma_wait3A_125 = tpu.memref_squeeze %dma_wait3A_124 : memref<1x512x1024xf32, #tpu.memory_space<hbm>> -> memref<512x1024xf32, #tpu.memory_space<hbm>>
    tpu.wait_dma2 semaphore(%arg7 : memref<!tpu.dma_semaphore, #tpu.memory_space<semaphore_mem>>) src(%arg3 : memref<512x1024xf32, #tpu.memory_space<vmem_shared>>) dst(%dma_wait3A_125 : memref<512x1024xf32, #tpu.memory_space<hbm>>)
    return
  }
}

</mosaic_0001>

<sc_bundles>
// kernel: kernel.3.cloned.1.call-start
scs
__scs_entry_jumppad:
0x0: {  	(pc) =	sbr.rel $0x88, $3  }
0x1: {  	(tag) =	ssettag $0x0;
	lr =	simm.s32 $0x1  }
0x2: {  	[smem:$0x3FA0] =	sst lr;
	_ =	strace $0xD0000000  }
0x3: {  	_ = 	snop  }
0x4: {  	_ = 	snop  }
0x5: {  	_ = 	snop  }
0x6: {  	_ = 	snop  }
0x7: {  	_ = 	snop  }
__scs_overlays_trampoline_lowered:
0x8: {  	[smem:$0x3FAF] =	sst s0  }
0x9: {  	[smem:$0x3FB0] =	sst s1  }
0xa: {  	[smem:$0x3FB1] =	sst s2  }
0xb: {  	[smem:$0x3FB2] =	sst s3  }
0xc: {  	[smem:$0x3FB3] =	sst s4  }
0xd: {  	[smem:$0x3FB4] =	sst s5  }
0xe: {  	[smem:$0x3FB5] =	sst s6  }
0xf: {  	[smem:$0x3FB6] =	sst s7  }
0x10: {  	[smem:$0x3FB7] =	sst s8  }
0x11: {  	[smem:$0x3FB8] =	sst s9;
	s0 =	simm.s32 @!p0 $0x0  }
0x12: {  	s1 =	sld [smem:$0x3F9E];
	s0 =	simm.s32 @p0 $0x1  }
0x13: {  	[smem:$0x3FB9] =	sst s0;
	s0 =	simm.s32 @!p1 $0x0  }
0x14: {  	s2 =	sld [smem:$0x3F9D];
	s0 =	simm.s32 @p1 $0x1  }
0x15: {  	[smem:$0x3FBA] =	sst s0;
	s0 =	simm.s32 @!p2 $0x0  }
0x16: {  	s3 =	sld [smem:$0x3FDB];
	s0 =	simm.s32 @p2 $0x1  }
0x17: {  	s4 =	simm.s32 $0x1BF5;
	[smem:$0x3FBC] =	sst s0  }
0x18: {  	s0 =	sld [smem:$0x3F9F];
	_ =	swait.ge [sflag:s4], $0x0  }
0x19: {  	s7 =	sld [smem:$0x3FA0]  }
0x1a: {  	s8 =	sadd.s32 $0xFFFFE003, lr  }
0x1b: {  	s9 =	sadd.s32 $0xFFFFFEF7, lr;
	s5 =	simm.s32 $0xFFFFFFFF;
	p2 =	slt.u32 s8, $0xFFFFF086  }
0x1c: {  	p1 =	slt.u32 s9, $0xF7A;
	s5 =	simm.s32 @!p2 $0x0  }
0x1d: {  	s5 =	simm.s32 @p1 $0x1;
	p0 =	seq.s32 s7, s2  }
0x1e: {  	s7 =	smul.u32 @!p0 $0xF7A, s2;
	p2 =	seq.s32 @!p0 s5, $0x0  }
0x1f: {  	s9 =	smul.u32 $0xF7A, s1;
	s8 =	simm.s32 @!p0 $0x1BF5;
	p2 =	por !p2, p0  }
0x20: {  	[sflag:s8] =	ssyncset.s32 @!p0 $0xFFFFF086;
	s6 =	sadd.s32 @!p0 s3, s7;
	s7 =	simm.s32 @!p0 $0x108  }
0x21: {  	s3 =	sadd.s32 s3, s9;
	s6 =	sadd.s32 @!p0 $0x88, s6;
	s7 =	simm.s32 @p2 $0x1082  }
0x22: {  	[simem:s7], [sflag:s8] =	dma.local @!p0 [hbm:s6], $0xF7A  }
0x23: {  	s9 =	sor.u32 $0xD0000000, s2;
	s6 =	simm.s32 $0x108;
	_ =	swait.ge @!p0 [sflag:s8], $0x0  }
0x24: {  	s3 =	sadd.s32 $0x88, s3;
	s6 =	simm.s32 @!p1 $0x1082;
	[sflag:s4] =	ssyncset.s32 $0xFFFFF086  }
0x25: {  	[simem:s6], [sflag:s4] =	dma.local [hbm:s3], $0xF7A  }
0x26: {  	[smem:$0x3FA0] =	sst s1;
	(tag) =	ssettag s2;
	_ =	strace s9  }
0x27: {  	s1 =	sld [smem:$0x3FB0]  }
0x28: {  	s2 =	sld [smem:$0x3FB1]  }
0x29: {  	s4 =	sld [smem:$0x3FB3]  }
0x2a: {  	p0 =	seq.s32 s5, $0x0;
	s5 =	sld [smem:$0x3FB4]  }
0x2b: {  	s6 =	sld [smem:$0x3FB5]  }
0x2c: {  	s7 =	sld [smem:$0x3FB6]  }
0x2d: {  	s3 =	simm.s32 $0x108;
	s8 =	sld [smem:$0x3FB7]  }
0x2e: {  	s3 =	simm.s32 @!p0 $0x1082;
	s9 =	sld [smem:$0x3FB8]  }
0x2f: {  	lr =	sadd.s32 s0, s3;
	s0 =	sld [smem:$0x3FAF]  }
0x30: {  	s3 =	sld [smem:$0x3FB2]  }
0x31: {  	[smem:$0x3FBB] =	sst s10  }
0x32: {  	s10 =	sld [smem:$0x3FB9];
	_ =	sdelay $0x3  }
0x33: {  	p0 =	seq.s32 s10, $0x1;
	s10 =	sld [smem:$0x3FBB];
	_ =	sdelay $0x3  }
0x34: {  	[smem:$0x3FBB] =	sst s10  }
0x35: {  	s10 =	sld [smem:$0x3FBA];
	_ =	sdelay $0x3  }
0x36: {  	p1 =	seq.s32 s10, $0x1;
	s10 =	sld [smem:$0x3FBB];
	_ =	sdelay $0x3  }
0x37: {  	[smem:$0x3FBB] =	sst s10  }
0x38: {  	s10 =	sld [smem:$0x3FBC]  }
0x39: {  	_ = 	snop;
	(pc) =	sbr.ind lr, $3  }
0x3a: {  	_ = 	snop  }
0x3b: {  	_ = 	snop  }
0x3c: {  	p2 =	seq.s32 s10, $0x1;
	s10 =	sld [smem:$0x3FBB]  }
0x3d: {  	_ =	shalt  }
0x3e: {  	_ =	shalt  }
0x3f: {  	_ =	shalt  }
0x40: {  	_ =	shalt  }
0x41: {  	_ =	shalt  }
0x42: {  	_ =	shalt  }
0x43: {  	_ =	shalt  }
0x44: {  	_ =	shalt  }
0x45: {  	_ =	shalt  }
0x46: {  	_ =	shalt  }
0x47: {  	_ =	shalt  }
0x48: {  	_ =	shalt  }
0x49: {  	_ =	shalt  }
0x4a: {  	_ =	shalt  }
0x4b: {  	_ =	shalt  }
0x4c: {  	_ =	shalt  }
0x4d: {  	_ =	shalt  }
0x4e: {  	_ =	shalt  }
0x4f: {  	_ =	shalt  }
0x50: {  	_ =	shalt  }
0x51: {  	_ =	shalt  }
0x52: {  	_ =	shalt  }
0x53: {  	_ =	shalt  }
0x54: {  	_ =	shalt  }
0x55: {  	_ =	shalt  }
0x56: {  	_ =	shalt  }
0x57: {  	_ =	shalt  }
0x58: {  	_ =	shalt  }
0x59: {  	_ =	shalt  }
0x5a: {  	_ =	shalt  }
0x5b: {  	_ =	shalt  }
0x5c: {  	_ =	shalt  }
0x5d: {  	_ =	shalt  }
0x5e: {  	_ =	shalt  }
0x5f: {  	_ =	shalt  }
0x60: {  	_ =	shalt  }
0x61: {  	_ =	shalt  }
0x62: {  	_ =	shalt  }
0x63: {  	_ =	shalt  }
0x64: {  	_ =	shalt  }
0x65: {  	_ =	shalt  }
0x66: {  	_ =	shalt  }
0x67: {  	_ =	shalt  }
0x68: {  	_ =	shalt  }
0x69: {  	_ =	shalt  }
0x6a: {  	_ =	shalt  }
0x6b: {  	_ =	shalt  }
0x6c: {  	_ =	shalt  }
0x6d: {  	_ =	shalt  }
0x6e: {  	_ =	shalt  }
0x6f: {  	_ =	shalt  }
0x70: {  	_ =	shalt  }
0x71: {  	_ =	shalt  }
0x72: {  	_ =	shalt  }
0x73: {  	_ =	shalt  }
0x74: {  	_ =	shalt  }
0x75: {  	_ =	shalt  }
0x76: {  	_ =	shalt  }
0x77: {  	_ =	shalt  }
0x78: {  	_ =	shalt  }
0x79: {  	_ =	shalt  }
0x7a: {  	_ =	shalt  }
0x7b: {  	_ =	shalt  }
0x7c: {  	_ =	shalt  }
0x7d: {  	_ =	shalt  }
0x7e: {  	_ =	shalt  }
0x7f: {  	_ =	shalt  }
0x80: {  	_ =	shalt  }
0x81: {  	_ =	shalt  }
0x82: {  	_ =	shalt  }
0x83: {  	_ =	shalt  }
0x84: {  	_ =	shalt  }
0x85: {  	_ =	shalt  }
0x86: {  	_ =	shalt  }
0x87: {  	_ =	shalt  }
.Lfunc_end0:
.L_simem_size_0:
called_computation_lowered:
.L_overlay_start_0:
0x88: {  	s2 =	sld [smem:$0x3FD9]  }
0x89: {  	s3 =	sld [smem:$0x3FFE];
	_ =	sdelay $0x1  }
0x8a: {  	s1 =	srdreg.scid  }
0x8b: {  	s0 =	sand.u32 $0x1, s1  }
0x8c: {  	s30 =	sshll.u32 s0, $0xA;
	s2 =	sadd.s32 s3, s2  }
0x8d: {  	s2 =	sadd.s32 s2, s30  }
0x8e: {  	s31 =	simm.s32 $0x0;
	[smem:$0x3FC7] =	sst s2  }
0x8f: {  	[smem:$0xF] =	sst s31  }
0x90: {  	s4 =	sld [smem:$0x3FC9]  }
0x91: {  	s2 =	sld [smem:$0x3FD0];
	(tm) =	ssettm $0x1  }
0x92: {  	s5 =	sld [smem:$0x3FFB];
	_ =	sdelay $0x3  }
0x93: {  	_ =	strace s5  }
0x94: {  	s5 =	sld [smem:$0x3FFC];
	_ =	sdelay $0x3  }
0x95: {  	_ =	strace s5  }
0x96: {  	s5 =	sld [smem:$0x3FFD];
	_ =	sdelay $0x3  }
0x97: {  	_ =	strace s5  }
0x98: {  	s13 =	simm.s32 $0x1B8B;
	_ =	strace $0x8FFFFFFF  }
0x99: {  	_ =	swait.ge [sflag:s13], $0x1  }
0x9a: {  	s14 =	simm.s32 $0x1B8E;
	s8 =	simm.s32 $0x9;
	[sflag:s13] =	ssyncset.done $0x0  }
0x9b: {  	s7 =	simm.s32 $0xA;
	s9 =	sshll.u32 s0, $0x13;
	[sflag:s13] =	ssyncadd.s32 $0xFFFFFFFF  }
0x9c: {  	s16 =	simm.s32 $0x10000;
	s10 =	sor.u32 $0x10000, s9;
	[smem:$0x3FD2] =	sst s14  }
0x9d: {  	s15 =	sadd.s32 s9, s4;
	s6 =	sadd.s32 s10, s4;
	_ =	strace $0x80000046  }
0x9e: {  	[spmem:s31], [sflag:s8] =	dma.local [hbm:s15], $0x10000  }
0x9f: {  	[spmem:s16], [sflag:s7] =	dma.local [hbm:s6], $0x10000  }
0xa0: {  	_ =	swait.ge [sflag:s8], $0x10000  }
0xa1: {  	[sflag:s8] =	ssyncset.done $0x0  }
0xa2: {  	[sflag:s8] =	ssyncadd.s32 $0xFFFF0000  }
0xa3: {  	s17 =	simm.s32 $0xB;
	s11 =	sadd.s32 s9, s2  }
0xa4: {  	[hbm:s11], [sflag:s17] =	dma.local [spmem:s31], $0x10000  }
0xa5: {  	_ =	swait.ge [sflag:s17], $0x10000  }
0xa6: {  	[sflag:s17] =	ssyncset.done $0x0  }
0xa7: {  	s18 =	sor.u32 $0x20000, s9;
	[sflag:s17] =	ssyncadd.s32 $0xFFFF0000  }
0xa8: {  	s12 =	sadd.s32 s18, s4  }
0xa9: {  	[spmem:s31], [sflag:s8] =	dma.local [hbm:s12], $0x10000  }
0xaa: {  	_ =	swait.ge [sflag:s7], $0x10000  }
0xab: {  	[sflag:s7] =	ssyncset.done $0x0  }
0xac: {  	[sflag:s7] =	ssyncadd.s32 $0xFFFF0000  }
0xad: {  	s20 =	simm.s32 $0xC;
	s19 =	sadd.s32 s10, s2  }
0xae: {  	[hbm:s19], [sflag:s20] =	dma.local [spmem:s16], $0x10000  }
0xaf: {  	_ =	swait.ge [sflag:s20], $0x10000  }
0xb0: {  	[sflag:s20] =	ssyncset.done $0x0  }
0xb1: {  	s21 =	sor.u32 $0x30000, s9;
	[sflag:s20] =	ssyncadd.s32 $0xFFFF0000  }
0xb2: {  	s13 =	sadd.s32 s21, s4  }
0xb3: {  	[spmem:s16], [sflag:s7] =	dma.local [hbm:s13], $0x10000  }
0xb4: {  	_ =	swait.ge [sflag:s8], $0x10000  }
0xb5: {  	[sflag:s8] =	ssyncset.done $0x0  }
0xb6: {  	[sflag:s8] =	ssyncadd.s32 $0xFFFF0000  }
0xb7: {  	s11 =	sadd.s32 s18, s2  }
0xb8: {  	[hbm:s11], [sflag:s17] =	dma.local [spmem:s31], $0x10000  }
0xb9: {  	_ =	swait.ge [sflag:s17], $0x10000  }
0xba: {  	[sflag:s17] =	ssyncset.done $0x0  }
0xbb: {  	s22 =	sor.u32 $0x40000, s9;
	[sflag:s17] =	ssyncadd.s32 $0xFFFF0000  }
0xbc: {  	s23 =	sadd.s32 s22, s4  }
0xbd: {  	[spmem:s31], [sflag:s8] =	dma.local [hbm:s23], $0x10000  }
0xbe: {  	_ =	swait.ge [sflag:s7], $0x10000  }
0xbf: {  	[sflag:s7] =	ssyncset.done $0x0  }
0xc0: {  	[sflag:s7] =	ssyncadd.s32 $0xFFFF0000  }
0xc1: {  	s12 =	sadd.s32 s21, s2  }
0xc2: {  	[hbm:s12], [sflag:s20] =	dma.local [spmem:s16], $0x10000  }
0xc3: {  	_ =	swait.ge [sflag:s20], $0x10000  }
0xc4: {  	[sflag:s20] =	ssyncset.done $0x0  }
0xc5: {  	s24 =	sor.u32 $0x50000, s9;
	[sflag:s20] =	ssyncadd.s32 $0xFFFF0000  }
0xc6: {  	s25 =	sadd.s32 s24, s4  }
0xc7: {  	[spmem:s16], [sflag:s7] =	dma.local [hbm:s25], $0x10000  }
0xc8: {  	_ =	swait.ge [sflag:s8], $0x10000  }
0xc9: {  	[sflag:s8] =	ssyncset.done $0x0  }
0xca: {  	[sflag:s8] =	ssyncadd.s32 $0xFFFF0000  }
0xcb: {  	s11 =	sadd.s32 s22, s2  }
0xcc: {  	[hbm:s11], [sflag:s17] =	dma.local [spmem:s31], $0x10000  }
0xcd: {  	_ =	swait.ge [sflag:s17], $0x10000  }
0xce: {  	[sflag:s17] =	ssyncset.done $0x0  }
0xcf: {  	s26 =	sor.u32 $0x60000, s9;
	[sflag:s17] =	ssyncadd.s32 $0xFFFF0000  }
0xd0: {  	s28 =	sadd.s32 s26, s4  }
0xd1: {  	[spmem:s31], [sflag:s8] =	dma.local [hbm:s28], $0x10000  }
0xd2: {  	_ =	swait.ge [sflag:s7], $0x10000  }
0xd3: {  	[sflag:s7] =	ssyncset.done $0x0  }
0xd4: {  	[sflag:s7] =	ssyncadd.s32 $0xFFFF0000  }
0xd5: {  	s12 =	sadd.s32 s24, s2  }
0xd6: {  	[hbm:s12], [sflag:s20] =	dma.local [spmem:s16], $0x10000  }
0xd7: {  	_ =	swait.ge [sflag:s20], $0x10000  }
0xd8: {  	[sflag:s20] =	ssyncset.done $0x0  }
0xd9: {  	s9 =	sor.u32 $0x70000, s9;
	[sflag:s20] =	ssyncadd.s32 $0xFFFF0000  }
0xda: {  	s4 =	sadd.s32 s9, s4  }
0xdb: {  	[spmem:s16], [sflag:s7] =	dma.local [hbm:s4], $0x10000  }
0xdc: {  	_ =	swait.ge [sflag:s8], $0x10000  }
0xdd: {  	[sflag:s8] =	ssyncset.done $0x0  }
0xde: {  	[sflag:s8] =	ssyncadd.s32 $0xFFFF0000  }
0xdf: {  	s29 =	sadd.s32 s26, s2  }
0xe0: {  	[hbm:s29], [sflag:s17] =	dma.local [spmem:s31], $0x10000  }
0xe1: {  	_ =	swait.ge [sflag:s7], $0x10000  }
0xe2: {  	[sflag:s7] =	ssyncset.done $0x0  }
0xe3: {  	[sflag:s7] =	ssyncadd.s32 $0xFFFF0000  }
0xe4: {  	s2 =	sadd.s32 s9, s2  }
0xe5: {  	[hbm:s2], [sflag:s20] =	dma.local [spmem:s16], $0x10000  }
0xe6: {  	_ =	swait.ge [sflag:s20], $0x10000  }
0xe7: {  	[sflag:s20] =	ssyncset.done $0x0  }
0xe8: {  	[sflag:s20] =	ssyncadd.s32 $0xFFFF0000;
	_ =	sdelay $0x2  }
0xe9: {  	_ =	swait.ge [sflag:s17], $0x10000  }
0xea: {  	[sflag:s17] =	ssyncset.done $0x0  }
0xeb: {  	[sflag:s17] =	ssyncadd.s32 $0xFFFF0000  }
0xec: {  	_ =	strace $0x90000046  }
0xed: {  	_ =	sfence  }
0xee: {  	s30 =	sld [smem:$0x0];
	_ =	sdelay $0x2  }
0xef: {  	s31 =	sshll.u32 s1, $0xD;
	s1 =	sshrl.u32 s1, $0x2  }
0xf0: {  	s3 =	sand.u32 $0x4000, s31;
	s1 =	sadd.s32 s1, s30  }
0xf1: {  	s0 =	sor.u32 s3, s0;
	s1 =	sshll.u32 s1, $0x11  }
0xf2: {  	s0 =	sor.u32 s1, s0  }
0xf3: {  	s0 =	sadd.s32 $0x8F2B, s0;
	(pc) =	sbr.abs _section_cstart, $3  }
0xf4: {  	[sflag:s0] =	ssyncadd.remote.s32 $0x1  }
0xf5: {  	_ =	strace $0x9FFFFFFF  }
0xf6: {  	(tm) =	ssettm $0x7FFFFFFF  }
0xf7: {  	_ =	shalt  }

</sc_bundles>
